<compile_context>
chip_gen: v7x
topology: tpu7x:2x2x1
jax: 0.10.2.dev20260603
libtpu: 0.0.44.dev20260713+nightly
codegen_flags: <defaults>
</compile_context>

<pallas_src>
import functools

import jax
import jax.numpy as jnp
from jax.experimental import pallas as pl
from jax.experimental.pallas import tpu as pltpu

_N_MAX_PIXELS = 20000
_THRESHOLD = 0.5


def _body(x_ref, out_ref, m_ref, carry_ref, *, block_pixels):
    i = pl.program_id(1)

    @pl.when(i == 0)
    def _():
        carry_ref[0] = 0

    x = x_ref[0]
    f = (x[:, 0:1] > _THRESHOLD).astype(jnp.float32)
    s = jnp.sum(f).astype(jnp.int32)
    carry = carry_ref[0]

    keep_all = (carry + s <= _N_MAX_PIXELS).astype(jnp.float32)
    m = f * keep_all
    m_ref[0] = m
    out_ref[0] = x * m

    @pl.when(jnp.logical_and(carry + s > _N_MAX_PIXELS, carry < _N_MAX_PIXELS))
    def _():
        cum = f
        d = 1
        while d < block_pixels:
            shifted = jnp.concatenate(
                [jnp.zeros((d, 1), jnp.float32), cum[: block_pixels - d]], axis=0
            )
            cum = cum + shifted
            d *= 2
        limit = (_N_MAX_PIXELS - carry) + 0.5
        mb = f * (cum < limit).astype(jnp.float32)
        m_ref[0] = mb
        out_ref[0] = x * mb

    carry_ref[0] = carry + s


def _pick_block(hw):
    for p in (4096, 2048, 1024, 512, 256, 128, 64, 32, 16, 8):
        if hw % p == 0:
            return p
    return hw


def kernel(inputs):
    b, h, w, c = inputs.shape
    hw = h * w
    p = _pick_block(hw)
    x = inputs.reshape(b, hw, c)
    grid = (b, hw // p)

    out, mask = pl.pallas_call(
        functools.partial(_body, block_pixels=p),
        grid=grid,
        in_specs=[pl.BlockSpec((1, p, c), lambda bi, i: (bi, i, 0))],
        out_specs=[
            pl.BlockSpec((1, p, c), lambda bi, i: (bi, i, 0)),
            pl.BlockSpec((1, p, 1), lambda bi, i: (bi, i, 0)),
        ],
        out_shape=[
            jax.ShapeDtypeStruct((b, hw, c), inputs.dtype),
            jax.ShapeDtypeStruct((b, hw, 1), inputs.dtype),
        ],
        scratch_shapes=[pltpu.SMEM((1,), jnp.int32)],
        compiler_params=pltpu.CompilerParams(
            dimension_semantics=("arbitrary", "arbitrary")
        ),
    )(x)

    return out.reshape(b, h, w, c), mask.reshape(b, h, w, 1)

# --- scband reference (transcript-rebuilt; emitter-appended) ---
"""Pipeline reference for scband-input-reduce-7773890806313 (READ-ONLY COPY).

The authoritative reference and input builder live on the scoring server;
editing this copy changes nothing except your own understanding.
"""

import jax, jax.numpy as jnp
import numpy as np

N_MAX_PIXELS = 20000
THRESHOLD = 0.5


def setup_inputs(seed: int = 0) -> dict:
    key = jax.random.key(seed)
    inputs = jax.random.uniform(key, (4, 384, 384, 192), dtype=jnp.float32)
    return {"inputs": inputs}


def reference(inputs):
    b, h, w, c = inputs.shape
    # active pixel iff channel 0 exceeds threshold
    active_flag = (inputs[..., 0] > THRESHOLD).astype(jnp.int32)
    active_flag_flat = active_flag.reshape(b, h * w)
    # running count of active pixels in raster order
    active_count = jnp.cumsum(active_flag_flat, axis=1)
    keep_mask_flat = jnp.logical_and(
        active_flag_flat == 1, active_count <= N_MAX_PIXELS
    ).astype(inputs.dtype)
    keep_mask = keep_mask_flat.reshape(b, h, w, 1)
    inputs_reduced = inputs * keep_mask
    return (inputs_reduced, keep_mask)

if __name__ == "__main__":
    import jax
    _d = setup_inputs()
    print(jax.jit(kernel)(*tuple(_d.values())))

</pallas_src>

<mosaic_0001>
module attributes {stable_mosaic.version = 14 : i64} {
  func.func @_body(%arg0: i32, %arg1: i32, %arg2: memref<1x4096x192xf32, #tpu.memory_space<vmem>>, %arg3: memref<1x4096x192xf32, #tpu.memory_space<vmem>>, %arg4: memref<1x4096x1xf32, #tpu.memory_space<vmem>>, %arg5: memref<1xi32, #tpu.memory_space<smem>>) attributes {dimension_semantics = [#tpu.dimension_semantics<arbitrary>, #tpu.dimension_semantics<arbitrary>], iteration_bounds = array<i64: 4, 36>, scalar_prefetch = 0 : i64, scratch_operands = 1 : i64, tpu.core_type = #tpu.core_type<tc>, window_params = [{transform_indices = @transform_0, window_bounds = array<i64: 1, 4096, 192>}, {transform_indices = @transform_1, window_bounds = array<i64: 1, 4096, 192>}, {transform_indices = @transform_2, window_bounds = array<i64: 1, 4096, 1>}]} {
    %eq3A = arith.constant 0 : i32
    %eq3A_0 = arith.cmpi eq, %arg1, %eq3A : i32
    %convert_element_type3A = arith.extui %eq3A_0 : i1 to i32
    %cond3A = arith.constant 0 : i32
    %cond3A_1 = arith.cmpi ne, %convert_element_type3A, %cond3A : i32
    scf.if %cond3A_1 {
      %swap3A_44 = arith.constant 0 : i32
      %swap3A_45 = arith.constant 0 : index
      %swap3A_46 = memref.load %arg5[%swap3A_45] : memref<1xi32, #tpu.memory_space<smem>>
      memref.store %swap3A_44, %arg5[%swap3A_45] : memref<1xi32, #tpu.memory_space<smem>>
    } else {
    }
    %get3A = arith.constant 0 : index
    %get3A_2 = arith.constant 0 : index
    %get3A_3 = arith.constant 0 : index
    %get3A_4 = vector.load %arg2[%get3A, %get3A_2, %get3A_3] : memref<1x4096x192xf32, #tpu.memory_space<vmem>>, vector<1x4096x192xf32>
    %get3A_5 = vector.shape_cast %get3A_4 : vector<1x4096x192xf32> to vector<4096x192xf32>
    %slice3A = vector.extract_strided_slice %get3A_5 {offsets = [0, 0], sizes = [4096, 1], strides = [1, 1]} : vector<4096x192xf32> to vector<4096x1xf32>
    %gt3A = arith.constant 5.000000e-01 : f32
    %gt3A_6 = vector.broadcast %gt3A : f32 to vector<4096x1xf32>
    %gt3A_7 = arith.cmpf ogt, %slice3A, %gt3A_6 : vector<4096x1xf32>
    %convert_element_type3A_8 = arith.extui %gt3A_7 : vector<4096x1xi1> to vector<4096x1xi32>
    %convert_element_type3A_9 = arith.sitofp %convert_element_type3A_8 : vector<4096x1xi32> to vector<4096x1xf32>
    %reduce_sum3A = vector.shape_cast %convert_element_type3A_9 : vector<4096x1xf32> to vector<1x4096x1xf32>
    %reduce_sum3A_10 = arith.constant dense<0.000000e+00> : vector<1xf32>
    %reduce_sum3A_11 = vector.multi_reduction <add>, %reduce_sum3A, %reduce_sum3A_10 [1, 2] : vector<1x4096x1xf32> to vector<1xf32>
    %reduce_sum3A_12 = vector.shape_cast %reduce_sum3A_11 : vector<1xf32> to vector<1x1x1xf32>
    %reduce_sum3A_13 = vector.extract %reduce_sum3A_12[0, 0, 0] : f32 from vector<1x1x1xf32>
    %convert_element_type3A_14 = arith.fptosi %reduce_sum3A_13 : f32 to i32
    %get3A_15 = arith.constant 0 : index
    %get3A_16 = memref.load %arg5[%get3A_15] : memref<1xi32, #tpu.memory_space<smem>>
    %add3A = arith.addi %get3A_16, %convert_element_type3A_14 : i32
    %le3A = arith.constant 20000 : i32
    %le3A_17 = arith.cmpi sle, %add3A, %le3A : i32
    %convert_element_type3A_18 = arith.extui %le3A_17 : i1 to i32
    %convert_element_type3A_19 = arith.sitofp %convert_element_type3A_18 : i32 to f32
    %mul3A = vector.broadcast %convert_element_type3A_19 : f32 to vector<4096x1xf32>
    %mul3A_20 = arith.mulf %convert_element_type3A_9, %mul3A : vector<4096x1xf32>
    %swap3A = arith.constant 0 : index
    %swap3A_21 = arith.constant 0 : index
    %swap3A_22 = arith.constant 0 : index
    %swap3A_23 = vector.load %arg4[%swap3A, %swap3A_21, %swap3A_22] : memref<1x4096x1xf32, #tpu.memory_space<vmem>>, vector<1x4096x1xf32>
    %swap3A_24 = vector.shape_cast %swap3A_23 : vector<1x4096x1xf32> to vector<4096x1xf32>
    %swap3A_25 = vector.shape_cast %mul3A_20 : vector<4096x1xf32> to vector<1x4096x1xf32>
    tpu.vector_store %arg4[%swap3A, %swap3A_21, %swap3A_22], %swap3A_25 {strides = array<i32>} : memref<1x4096x1xf32, #tpu.memory_space<vmem>>, vector<1x4096x1xf32>,
    %mul3A_26 = vector.broadcast %mul3A_20 : vector<4096x1xf32> to vector<4096x192xf32>
    %mul3A_27 = arith.mulf %get3A_5, %mul3A_26 : vector<4096x192xf32>
    %swap3A_28 = arith.constant 0 : index
    %swap3A_29 = arith.constant 0 : index
    %swap3A_30 = arith.constant 0 : index
    %swap3A_31 = vector.load %arg3[%swap3A_28, %swap3A_29, %swap3A_30] : memref<1x4096x192xf32, #tpu.memory_space<vmem>>, vector<1x4096x192xf32>
    %swap3A_32 = vector.shape_cast %swap3A_31 : vector<1x4096x192xf32> to vector<4096x192xf32>
    %swap3A_33 = vector.shape_cast %mul3A_27 : vector<4096x192xf32> to vector<1x4096x192xf32>
    tpu.vector_store %arg3[%swap3A_28, %swap3A_29, %swap3A_30], %swap3A_33 {strides = array<i32>} : memref<1x4096x192xf32, #tpu.memory_space<vmem>>, vector<1x4096x192xf32>,
    %add3A_34 = arith.addi %get3A_16, %convert_element_type3A_14 : i32
    %gt3A_35 = arith.constant 20000 : i32
    %gt3A_36 = arith.cmpi sgt, %add3A_34, %gt3A_35 : i32
    %lt3A = arith.constant 20000 : i32
    %lt3A_37 = arith.cmpi slt, %get3A_16, %lt3A : i32
    %and3A = arith.andi %gt3A_36, %lt3A_37 : i1
    %convert_element_type3A_38 = arith.extui %and3A : i1 to i32
    %cond3A_39 = arith.constant 0 : i32
    %cond3A_40 = arith.cmpi ne, %convert_element_type3A_38, %cond3A_39 : i32
    scf.if %cond3A_40 {
      %broadcast_in_dim3A = arith.constant 0.000000e+00 : f32
      %broadcast_in_dim3A_44 = vector.broadcast %broadcast_in_dim3A : f32 to vector<1x1xf32>
      %slice3A_45 = vector.extract_strided_slice %convert_element_type3A_9 {offsets = [0, 0], sizes = [4095, 1], strides = [1, 1]} : vector<4096x1xf32> to vector<4095x1xf32>
      %concatenate3A = tpu.concatenate %broadcast_in_dim3A_44, %slice3A_45 in 0 : vector<1x1xf32>, vector<4095x1xf32> -> vector<4096x1xf32>
      %add3A_46 = arith.addf %convert_element_type3A_9, %concatenate3A : vector<4096x1xf32>
      %broadcast_in_dim3A_47 = arith.constant 0.000000e+00 : f32
      %broadcast_in_dim3A_48 = vector.broadcast %broadcast_in_dim3A_47 : f32 to vector<2x1xf32>
      %slice3A_49 = vector.extract_strided_slice %add3A_46 {offsets = [0, 0], sizes = [4094, 1], strides = [1, 1]} : vector<4096x1xf32> to vector<4094x1xf32>
      %concatenate3A_50 = tpu.concatenate %broadcast_in_dim3A_48, %slice3A_49 in 0 : vector<2x1xf32>, vector<4094x1xf32> -> vector<4096x1xf32>
      %add3A_51 = arith.addf %add3A_46, %concatenate3A_50 : vector<4096x1xf32>
      %broadcast_in_dim3A_52 = arith.constant 0.000000e+00 : f32
      %broadcast_in_dim3A_53 = vector.broadcast %broadcast_in_dim3A_52 : f32 to vector<4x1xf32>
      %slice3A_54 = vector.extract_strided_slice %add3A_51 {offsets = [0, 0], sizes = [4092, 1], strides = [1, 1]} : vector<4096x1xf32> to vector<4092x1xf32>
      %concatenate3A_55 = tpu.concatenate %broadcast_in_dim3A_53, %slice3A_54 in 0 : vector<4x1xf32>, vector<4092x1xf32> -> vector<4096x1xf32>
      %add3A_56 = arith.addf %add3A_51, %concatenate3A_55 : vector<4096x1xf32>
      %broadcast_in_dim3A_57 = arith.constant 0.000000e+00 : f32
      %broadcast_in_dim3A_58 = vector.broadcast %broadcast_in_dim3A_57 : f32 to vector<8x1xf32>
      %slice3A_59 = vector.extract_strided_slice %add3A_56 {offsets = [0, 0], sizes = [4088, 1], strides = [1, 1]} : vector<4096x1xf32> to vector<4088x1xf32>
      %concatenate3A_60 = tpu.concatenate %broadcast_in_dim3A_58, %slice3A_59 in 0 : vector<8x1xf32>, vector<4088x1xf32> -> vector<4096x1xf32>
      %add3A_61 = arith.addf %add3A_56, %concatenate3A_60 : vector<4096x1xf32>
      %broadcast_in_dim3A_62 = arith.constant 0.000000e+00 : f32
      %broadcast_in_dim3A_63 = vector.broadcast %broadcast_in_dim3A_62 : f32 to vector<16x1xf32>
      %slice3A_64 = vector.extract_strided_slice %add3A_61 {offsets = [0, 0], sizes = [4080, 1], strides = [1, 1]} : vector<4096x1xf32> to vector<4080x1xf32>
      %concatenate3A_65 = tpu.concatenate %broadcast_in_dim3A_63, %slice3A_64 in 0 : vector<16x1xf32>, vector<4080x1xf32> -> vector<4096x1xf32>
      %add3A_66 = arith.addf %add3A_61, %concatenate3A_65 : vector<4096x1xf32>
      %broadcast_in_dim3A_67 = arith.constant 0.000000e+00 : f32
      %broadcast_in_dim3A_68 = vector.broadcast %broadcast_in_dim3A_67 : f32 to vector<32x1xf32>
      %slice3A_69 = vector.extract_strided_slice %add3A_66 {offsets = [0, 0], sizes = [4064, 1], strides = [1, 1]} : vector<4096x1xf32> to vector<4064x1xf32>
      %concatenate3A_70 = tpu.concatenate %broadcast_in_dim3A_68, %slice3A_69 in 0 : vector<32x1xf32>, vector<4064x1xf32> -> vector<4096x1xf32>
      %add3A_71 = arith.addf %add3A_66, %concatenate3A_70 : vector<4096x1xf32>
      %broadcast_in_dim3A_72 = arith.constant 0.000000e+00 : f32
      %broadcast_in_dim3A_73 = vector.broadcast %broadcast_in_dim3A_72 : f32 to vector<64x1xf32>
      %slice3A_74 = vector.extract_strided_slice %add3A_71 {offsets = [0, 0], sizes = [4032, 1], strides = [1, 1]} : vector<4096x1xf32> to vector<4032x1xf32>
      %concatenate3A_75 = tpu.concatenate %broadcast_in_dim3A_73, %slice3A_74 in 0 : vector<64x1xf32>, vector<4032x1xf32> -> vector<4096x1xf32>
      %add3A_76 = arith.addf %add3A_71, %concatenate3A_75 : vector<4096x1xf32>
      %broadcast_in_dim3A_77 = arith.constant 0.000000e+00 : f32
      %broadcast_in_dim3A_78 = vector.broadcast %broadcast_in_dim3A_77 : f32 to vector<128x1xf32>
      %slice3A_79 = vector.extract_strided_slice %add3A_76 {offsets = [0, 0], sizes = [3968, 1], strides = [1, 1]} : vector<4096x1xf32> to vector<3968x1xf32>
      %concatenate3A_80 = tpu.concatenate %broadcast_in_dim3A_78, %slice3A_79 in 0 : vector<128x1xf32>, vector<3968x1xf32> -> vector<4096x1xf32>
      %add3A_81 = arith.addf %add3A_76, %concatenate3A_80 : vector<4096x1xf32>
      %broadcast_in_dim3A_82 = arith.constant 0.000000e+00 : f32
      %broadcast_in_dim3A_83 = vector.broadcast %broadcast_in_dim3A_82 : f32 to vector<256x1xf32>
      %slice3A_84 = vector.extract_strided_slice %add3A_81 {offsets = [0, 0], sizes = [3840, 1], strides = [1, 1]} : vector<4096x1xf32> to vector<3840x1xf32>
      %concatenate3A_85 = tpu.concatenate %broadcast_in_dim3A_83, %slice3A_84 in 0 : vector<256x1xf32>, vector<3840x1xf32> -> vector<4096x1xf32>
      %add3A_86 = arith.addf %add3A_81, %concatenate3A_85 : vector<4096x1xf32>
      %broadcast_in_dim3A_87 = arith.constant 0.000000e+00 : f32
      %broadcast_in_dim3A_88 = vector.broadcast %broadcast_in_dim3A_87 : f32 to vector<512x1xf32>
      %slice3A_89 = vector.extract_strided_slice %add3A_86 {offsets = [0, 0], sizes = [3584, 1], strides = [1, 1]} : vector<4096x1xf32> to vector<3584x1xf32>
      %concatenate3A_90 = tpu.concatenate %broadcast_in_dim3A_88, %slice3A_89 in 0 : vector<512x1xf32>, vector<3584x1xf32> -> vector<4096x1xf32>
      %add3A_91 = arith.addf %add3A_86, %concatenate3A_90 : vector<4096x1xf32>
      %broadcast_in_dim3A_92 = arith.constant 0.000000e+00 : f32
      %broadcast_in_dim3A_93 = vector.broadcast %broadcast_in_dim3A_92 : f32 to vector<1024x1xf32>
      %slice3A_94 = vector.extract_strided_slice %add3A_91 {offsets = [0, 0], sizes = [3072, 1], strides = [1, 1]} : vector<4096x1xf32> to vector<3072x1xf32>
      %concatenate3A_95 = tpu.concatenate %broadcast_in_dim3A_93, %slice3A_94 in 0 : vector<1024x1xf32>, vector<3072x1xf32> -> vector<4096x1xf32>
      %add3A_96 = arith.addf %add3A_91, %concatenate3A_95 : vector<4096x1xf32>
      %broadcast_in_dim3A_97 = arith.constant 0.000000e+00 : f32
      %broadcast_in_dim3A_98 = vector.broadcast %broadcast_in_dim3A_97 : f32 to vector<2048x1xf32>
      %slice3A_99 = vector.extract_strided_slice %add3A_96 {offsets = [0, 0], sizes = [2048, 1], strides = [1, 1]} : vector<4096x1xf32> to vector<2048x1xf32>
      %concatenate3A_100 = tpu.concatenate %broadcast_in_dim3A_98, %slice3A_99 in 0 : vector<2048x1xf32>, vector<2048x1xf32> -> vector<4096x1xf32>
      %add3A_101 = arith.addf %add3A_96, %concatenate3A_100 : vector<4096x1xf32>
      %sub3A = arith.constant 20000 : i32
      %sub3A_102 = arith.subi %sub3A, %get3A_16 : i32
      %convert_element_type3A_103 = arith.sitofp %sub3A_102 : i32 to f32
      %add3A_104 = arith.constant 5.000000e-01 : f32
      %add3A_105 = arith.addf %convert_element_type3A_103, %add3A_104 : f32
      %lt3A_106 = vector.broadcast %add3A_105 : f32 to vector<4096x1xf32>
      %lt3A_107 = arith.cmpf olt, %add3A_101, %lt3A_106 : vector<4096x1xf32>
      %convert_element_type3A_108 = arith.extui %lt3A_107 : vector<4096x1xi1> to vector<4096x1xi32>
      %convert_element_type3A_109 = arith.sitofp %convert_element_type3A_108 : vector<4096x1xi32> to vector<4096x1xf32>
      %mul3A_110 = arith.mulf %convert_element_type3A_9, %convert_element_type3A_109 : vector<4096x1xf32>
      %swap3A_111 = arith.constant 0 : index
      %swap3A_112 = arith.constant 0 : index
      %swap3A_113 = arith.constant 0 : index
      %swap3A_114 = vector.load %arg4[%swap3A_111, %swap3A_112, %swap3A_113] : memref<1x4096x1xf32, #tpu.memory_space<vmem>>, vector<1x4096x1xf32>
      %swap3A_115 = vector.shape_cast %swap3A_114 : vector<1x4096x1xf32> to vector<4096x1xf32>
      %swap3A_116 = vector.shape_cast %mul3A_110 : vector<4096x1xf32> to vector<1x4096x1xf32>
      tpu.vector_store %arg4[%swap3A_111, %swap3A_112, %swap3A_113], %swap3A_116 {strides = array<i32>} : memref<1x4096x1xf32, #tpu.memory_space<vmem>>, vector<1x4096x1xf32>,
      %mul3A_117 = vector.broadcast %mul3A_110 : vector<4096x1xf32> to vector<4096x192xf32>
      %mul3A_118 = arith.mulf %get3A_5, %mul3A_117 : vector<4096x192xf32>
      %swap3A_119 = arith.constant 0 : index
      %swap3A_120 = arith.constant 0 : index
      %swap3A_121 = arith.constant 0 : index
      %swap3A_122 = vector.load %arg3[%swap3A_119, %swap3A_120, %swap3A_121] : memref<1x4096x192xf32, #tpu.memory_space<vmem>>, vector<1x4096x192xf32>
      %swap3A_123 = vector.shape_cast %swap3A_122 : vector<1x4096x192xf32> to vector<4096x192xf32>
      %swap3A_124 = vector.shape_cast %mul3A_118 : vector<4096x192xf32> to vector<1x4096x192xf32>
      tpu.vector_store %arg3[%swap3A_119, %swap3A_120, %swap3A_121], %swap3A_124 {strides = array<i32>} : memref<1x4096x192xf32, #tpu.memory_space<vmem>>, vector<1x4096x192xf32>,
    } else {
    }
    %add3A_41 = arith.addi %get3A_16, %convert_element_type3A_14 : i32
    %swap3A_42 = arith.constant 0 : index
    %swap3A_43 = memref.load %arg5[%swap3A_42] : memref<1xi32, #tpu.memory_space<smem>>
    memref.store %add3A_41, %arg5[%swap3A_42] : memref<1xi32, #tpu.memory_space<smem>>
    return
  }
  func.func @transform_0(%arg0: i32, %arg1: i32) -> (i32, i32, i32) {
    %c0_i32 = arith.constant 0 : i32
    %c0_i32_0 = arith.constant 0 : i32
    return %arg0, %arg1, %c0_i32 : i32, i32, i32
  }
  func.func @transform_1(%arg0: i32, %arg1: i32) -> (i32, i32, i32) {
    %c0_i32 = arith.constant 0 : i32
    %c0_i32_0 = arith.constant 0 : i32
    return %arg0, %arg1, %c0_i32 : i32, i32, i32
  }
  func.func @transform_2(%arg0: i32, %arg1: i32) -> (i32, i32, i32) {
    %c0_i32 = arith.constant 0 : i32
    %c0_i32_0 = arith.constant 0 : i32
    return %arg0, %arg1, %c0_i32 : i32, i32, i32
  }
}

</mosaic_0001>

<sc_bundles>
// kernel: sparse-core-data-format-call.cloned.1.call-start
scs
called_computation_lowered:
.L_overlay_start_0:
0x0: {  	s2 =	sld [smem:$0x3FD9]  }
0x1: {  	s3 =	sld [smem:$0x3FFE];
	_ =	sdelay $0x1  }
0x2: {  	s1 =	srdreg.scid  }
0x3: {  	s0 =	sand.u32 $0x1, s1  }
0x4: {  	s15 =	sshll.u32 s0, $0xA;
	s2 =	sadd.s32 s3, s2  }
0x5: {  	s2 =	sadd.s32 s2, s15  }
0x6: {  	[smem:$0x3FC7] =	sst s2  }
0x7: {  	_ = 	snop  }
0x8: {  	s2 =	sld [smem:$0x3FD0];
	_ =	sdelay $0x2  }
0x9: {  	s16 =	simm.s32 $0xA;
	s4 =	simm.s32 $0x10  }
0xa: {  	[smem:s4], [sflag:s16] =	dma.local [hbm:s2], $0x1  }
0xb: {  	_ =	swait.eq [sflag:s16], $0x1  }
0xc: {  	[sflag:s16] =	ssyncset.done $0x0  }
0xd: {  	[sflag:s16] =	ssyncadd.s32 $0xFFFFFFFF  }
0xe: {  	s17 =	sld [smem:$0x10];
	(tm) =	ssettm $0x1  }
0xf: {  	s18 =	sld [smem:$0x3FFB];
	_ =	sdelay $0x3  }
0x10: {  	_ =	strace s18  }
0x11: {  	s3 =	sld [smem:$0x3FFC];
	_ =	sdelay $0x3  }
0x12: {  	_ =	strace s3  }
0x13: {  	s3 =	sld [smem:$0x3FFD];
	_ =	sdelay $0x3  }
0x14: {  	_ =	strace s3  }
0x15: {  	_ =	strace $0x8FFFFFFF  }
0x16: {  	s19 =	sld [smem:$0x3FDB];
	_ =	sdelay $0x1  }
0x17: {  	s20 =	simm.s32 $_scs_section_size  }
0x18: {  	s5 =	simm.s32 $_size__tile_overlayer_lowered;
	s6 =	simm.s32 $_tile_overlayer_lowered  }
0x19: {  	s23 =	simm.s32 $0x1BFF;
	s22 =	sshll.u32 s6, $0x1;
	s3 =	sadd.s32 s20, s19  }
0x1a: {  	s7 =	simm.s32 $0x0;
	s21 =	sshll.u32 s5, $0x1;
	s5 =	sadd.s32 s22, s3  }
0x1b: {  	[timem:s7], [sflag:s23] =	dma.local [hbm:s5], s21  }
0x1c: {  	_ =	swait.ge [sflag:s23], s21  }
0x1d: {  	s4 =	ssub.s32 $0x0, s21;
	[sflag:s23] =	ssyncset.done $0x0  }
0x1e: {  	[sflag:s23] =	ssyncadd.s32 s4;
	_ =	sdelay $0x1  }
0x1f: {  	s24 =	simm.s32 $0x1B8B  }
0x20: {  	_ =	swait.ge [sflag:s24], $0x1  }
0x21: {  	[sflag:s24] =	ssyncset.done $0x0  }
0x22: {  	s26 =	simm.s32 $0x1B8E;
	s25 =	sld [smem:$0x3FFE];
	[sflag:s24] =	ssyncadd.s32 $0xFFFFFFFF  }
0x23: {  	s27 =	simm.s32 $execute0_lowered;
	[smem:$0x3FD2] =	sst s26  }
0x24: {  	s5 =	sshll.u32 s27, $0x1;
	_ =	strace $0x80000046;
	[dreg:$0x1] =	wrdreg $0xFFFFFFFF  }
0x25: {  	s28 =	simm.s32 $_size_execute0_lowered;
	s3 =	sadd.s32 s3, s5;
	[dreg:$0x0] =	wrdreg $0x0  }
0x26: {  	s5 =	sshll.u32 s28, $0x1;
	[dreg:$0x2] =	wrdreg s3  }
0x27: {  	[dreg:$0x3] =	wrdreg s5  }
0x28: {  	[dreg:$0x4] =	wrdreg $0xC0  }
0x29: {  	_ =	task [dreg:s7], $0x5FFFF  }
0x2a: {  	[dreg:$0x1] =	wrdreg $0xFFFFFFFF  }
0x2b: {  	[dreg:$0x0] =	wrdreg $0x60  }
0x2c: {  	[dreg:$0x2] =	wrdreg s25  }
0x2d: {  	[dreg:$0x3] =	wrdreg s17  }
0x2e: {  	[dreg:$0x4] =	wrdreg $0x9  }
0x2f: {  	_ =	task.clear_ibuf [dreg:s7], $0x5FFFF;
	_ =	strace $0x90000046  }
0x30: {  	s29 =	simm.s32 $0x9;
	_ =	strace $0x80000048  }
0x31: {  	_ =	swait.ge [sflag:s29], $0x1  }
0x32: {  	[sflag:s29] =	ssyncadd.s32 $0xFFFFFFFF  }
0x33: {  	_ =	strace $0x90000048  }
0x34: {  	_ =	sfence  }
0x35: {  	s30 =	sld [smem:$0x0];
	_ =	sdelay $0x2  }
0x36: {  	s31 =	sshll.u32 s1, $0xD;
	s1 =	sshrl.u32 s1, $0x2  }
0x37: {  	s3 =	sand.u32 $0x4000, s31;
	s1 =	sadd.s32 s1, s30  }
0x38: {  	s0 =	sor.u32 s3, s0;
	s1 =	sshll.u32 s1, $0x11  }
0x39: {  	s0 =	sor.u32 s1, s0  }
0x3a: {  	s0 =	sadd.s32 $0x8F2B, s0  }
0x3b: {  	[sflag:s0] =	ssyncadd.remote.s32 $0x1  }
0x3c: {  	_ =	sfence.sel $0xFFFF  }
0x3d: {  	[dreg:$0x0] =	wrdreg $0xFFFFFFFF;
	(pc) =	sbr.abs _section_cstart, $3  }
0x3e: {  	[dreg:$0x1] =	wrdreg $0xFFFFFFFF  }
0x3f: {  	_ =	task.clear_ibuf [dreg:s7], $0x2FFFF;
	_ =	strace $0x9FFFFFFF  }
0x40: {  	(tm) =	ssettm $0x7FFFFFFF  }
0x41: {  	_ =	shalt  }
tec
execute0_lowered:
.L_overlay_start_1:
0x0: {  	(tag) =	ssettag $0x1  }
0x1: {  	s3 =	rddreg [dreg:$0x0]  }
0x2: {  	s2 =	rddreg [dreg:$0x1];
	s1 =	srdreg.scid;
	_ =	strace $0x80000047  }
0x3: {  	s7 =	simm.s32 $0x2;
	s18 =	simm.s32 $0x0;
	p0 =	por $0x0, $0x0  }
0x4: {  	s17 =	simm.s32 $0x0;
	s19 =	simm.s32 $0x0;
	s20 =	simm.s32 $0x0  }
0x5: {  	s8 =	simm.s32 $0x0;
	s9 =	simm.s32 $0x0;
	s11 =	simm.s32 $0x0  }
0x6: {  	s12 =	simm.s32 $0x0;
	s13 =	simm.s32 $0x0;
	s14 =	simm.s32 $0x0  }
.Ltmp0:
0x7: {  	s10 =	simm.s32 $0x0;
	s4 =	sshll.u32 s1, $0x4;
	(pc) =	sbr.rel .LBB1_1-.Ltmp0, $4  }
0x8: {  	s1 =	stileid.u32;
	s3 =	sadd.s32 $0x1B00200, s3;
	s4 =	sand.u32 $0x10, s4  }
0x9: {  	s5 =	sand.u32 $0x3, s1;
	s6 =	sor.u32 s1, s4;
	s4 =	simm.s32 $0x1  }
0xa: {  	s16 =	smov.u32 s5;
	[sflag:s4] =	ssyncpa.u1 $0x0;
	s6 =	sshrl.u32 s6, $0x2  }
0xb: {  	[sflag:s7] =	ssyncpa.u1 $0x0;
	s7 =	simm.s32 $0xC00;
	s15 =	smov.u32 s6  }
.LBB1_5:
0xc: {  	p1 =	slt.u32 s10, $0x2  }
0xd: {  	s0 =	smov.u32 s20;
	s23 =	smov.u32 s15;
	s24 =	smov.u32 s16  }
0xe: {  	s10 =	sadd.s32 $0x1, s10;
	p2 =	sgt.s32 @!p1 s20, $0x3;
	s21 =	sshra.s32 @!p1 s20, $0x1F  }
0xf: {  	s22 =	sshra.s32 @!p1 s19, $0x1F;
	p4 =	sgt.s32 @!p1 s17, $0x100;
	p2 =	por !p2, p1  }
0x10: {  	s20 =	sand.u32 @!p1 s21, s20;
	s21 =	smov.u32 s19;
	s0 =	simm.s32 @p2 $0x3  }
0x11: {  	p2 =	sgt.s32 @!p1 s19, $0x17F;
	s19 =	sand.u32 @!p1 s22, s19;
	s0 =	ssub.s32 @!p1 s0, s20  }
0x12: {  	s22 =	smov.u32 s14;
	p2 =	por !p2, p1;
	s20 =	sadd.s32 @!p1 $0xFFFFFFFD, s0  }
0x13: {  	s21 =	simm.s32 @p2 $0x17F;
	s0 =	ssub.s32 @!p1 $0x4, s0;
	p3 =	sgt.s32 @!p1 s20, $0x0  }
0x14: {  	s19 =	ssub.s32 @!p1 s21, s19;
	s21 =	smov.u32 s18;
	p2 =	por !p3, p1  }
0x15: {  	s20 =	sadd.s32 @!p1 $0xFFFFFE81, s19;
	s19 =	ssub.s32 @!p1 $0x180, s19;
	s0 =	simm.s32 @!p2 $0x0  }
0x16: {  	p2 =	sgt.s32 @!p1 s18, $0x40;
	p3 =	sgt.s32 @!p1 s20, $0x0;
	s20 =	sshra.s32 @!p1 s18, $0x1F  }
0x17: {  	p2 =	por !p2, p1;
	s18 =	sand.u32 @!p1 s20, s18;
	s20 =	sshra.s32 @!p1 s17, $0x1F  }
0x18: {  	p3 =	por !p3, p1;
	s21 =	simm.s32 @p2 $0x40;
	p2 =	por !p4, p1  }
0x19: {  	s20 =	sand.u32 @!p1 s20, s17;
	s19 =	simm.s32 @!p3 $0x0;
	s17 =	simm.s32 @p2 $0x100  }
0x1a: {  	s18 =	ssub.s32 @!p1 s21, s18;
	s0 =	smul.u32 @!p1 s0, s19;
	s17 =	ssub.s32 @!p1 s17, s20  }
0x1b: {  	s21 =	sadd.s32 $0x80, s13;
	s19 =	sadd.s32 @!p1 $0xFFFFFFC0, s18;
	s20 =	sadd.s32 @!p1 $0xFFFFFF00, s17  }
0x1c: {  	s18 =	ssub.s32 @!p1 $0xC0, s18;
	p2 =	sgt.s32 @!p1 s19, $0x7F;
	p3 =	sgt.s32 @!p1 s20, $0x7F  }
0x1d: {  	s17 =	ssub.s32 @!p1 $0x180, s17;
	s19 =	sadd.s32 $0x80, s14;
	p3 =	por !p3, p1  }
0x1e: {  	p2 =	por !p2, p1;
	s17 =	simm.s32 @!p3 $0x0;
	p3 =	sgt.s32 s21, $0xBF  }
0x1f: {  	p0 =	por !p0, !p0;
	s18 =	simm.s32 @!p2 $0x0;
	s22 =	smov.u32 @p3 s19  }
0x20: {  	s0 =	smul.u32 @!p1 s17, s0;
	s17 =	sadd.s32 $0x8, s15;
	p2 =	sgt.s32 s22, $0x17F  }
0x21: {  	s25 =	simm.s32 @!p1 $0x2;
	s20 =	smov.u32 s12;
	s23 =	smov.u32 @p2 s17  }
0x22: {  	s21 =	simm.s32 @p3 $0x0;
	s17 =	sadd.s32 $0x4, s16;
	p3 =	sgt.s32 s23, $0x17F  }
0x23: {  	s12 =	smov.u32 s16;
	s19 =	smov.u32 s11;
	s24 =	smov.u32 @p3 s17  }
0x24: {  	s11 =	smov.u32 s15;
	s22 =	simm.s32 @p2 $0x0;
	p2 =	sgt.s32 s24, $0x3  }
0x25: {  	s0 =	smul.u32 @!p1 s18, s0;
	s24 =	smov.u32 @p2 s5;
	p2 =	sne.s32 s10, $0x122  }
.Ltmp1:
0x26: {  	s18 =	smov.u32 s8;
	s8 =	smov.u32 s13;
	(pc) =	sbr.rel @!p2 .LBB1_6-.Ltmp1, $4  }
0x27: {  	s13 =	smov.u32 s21;
	s0 =	sand.u32 @!p1 $0x3FFFFFFF, s0;
	s23 =	smov.u32 @p3 s6  }
0x28: {  	s17 =	smov.u32 s9;
	s9 =	smov.u32 s14;
	_ =	swait.ge @!p1 [sflag:s25], s0  }
0x29: {  	s14 =	smov.u32 s22;
	s0 =	ssub.s32 @!p1 $0x0, s0;
	[sflag:s25] =	ssyncset.done @!p1 $0x0  }
0x2a: {  	s15 =	smov.u32 s23;
	[sflag:s25] =	ssyncadd.s32 @!p1 s0;
	s16 =	smov.u32 s24  }
.LBB1_1:
0x2b: {  	p1 =	sgt.u32 s10, $0x11F  }
0x2c: {  	s21 =	sshll.u32 @!p1 s14, $0x8;
	s22 =	sshll.u32 @!p1 s13, $0x3  }
0x2d: {  	s23 =	sshll.u32 @!p1 s14, $0x7;
	s21 =	sand.u32 @!p1 $0xFFFFF800, s21;
	s22 =	sand.u32 @!p1 $0xFFFFFC00, s22  }
0x2e: {  	s21 =	sadd.s32 @!p1 s21, s22;
	s22 =	sand.u32 @!p1 $0x300, s23  }
0x2f: {  	s21 =	sor.u32 @!p1 s22, s21  }
0x30: {  	s21 =	sshrl.u32 @!p1 s21, $0x8  }
0x31: {  	s22 =	smulhi.u32 @!p1 $0xAAAAAB, s21  }
0x32: {  	s24 =	sxor.u32 @!p1 $0xFFFFFFFF, s10;
	s26 =	smul.u32 @!p1 $0x480000, s16  }
0x33: {  	s25 =	sand.u32 @!p1 $0x78, s13;
	s23 =	sand.u32 @!p1 $0x80, s23;
	s22 =	smul.u32 @!p1 $0x180, s22  }
0x34: {  	s24 =	sshll.u32 @!p1 s24, $0xE;
	s23 =	sor.u32 @!p1 s25, s23;
	s25 =	smul.u32 @!p1 $0x3000, s15  }
0x35: {  	s21 =	ssub.s32 @!p1 s21, s22;
	s22 =	sand.u32 @!p1 $0x4000, s24;
	s24 =	sadd.s32 @!p1 s3, s26  }
0x36: {  	s23 =	sshrl.u32 @!p1 s23, $0x3;
	s24 =	sadd.s32 @!p1 s25, s24;
	s25 =	sand.u32 @!p1 $0x7, s13  }
0x37: {  	s21 =	sshll.u32 @!p1 s21, $0x5;
	s23 =	sadd.s32 @!p1 s23, s24;
	s24 =	sshll.u32 @!p1 s25, $0x12  }
0x38: {  	s21 =	sadd.s32 @!p1 s21, s23;
	s23 =	sor.u32 @!p1 $0x400, s24;
	s24 =	simm.s32 @!p1 $0x800  }
0x39: {  	[tilespmem:s22], [sflag:$0x1] =	stream.strided.gather @!p1 [hbm4b:s21+s23], $0x4000, s24, s23, $0x38;
	[tilespmem:$0x10100] =	vst v63  }
0x3a: {  	p1 =	seq.s32 s10, $0x0  }
0x3b: {  	p2 =	seq.s32 @!p1 s10, $0x121  }
0x3c: {  	p1 =	por p1, p2  }
.Ltmp2:
0x3d: {  	_ = 	snop;
	(pc) =	sbr.rel @p1 .LBB1_5-.Ltmp2, $1  }
0x3e: {  	_ =	sdelay $0x3  }
0x3f: {  	s21 =	simm.s32 $0x1  }
0x40: {  	_ =	swait.ge [sflag:s4], $0x4000;
	s21 =	simm.s32 @!p0 $0x0  }
0x41: {  	[sflag:s4] =	ssyncset.done $0x0;
	s22 =	sshll.u32 s21, $0xE  }
0x42: {  	[sflag:s4] =	ssyncadd.s32 $0xFFFFC000;
	s22 =	sor.u32 $0x40, s22  }
0x43: {  	s21 =	smul.u32 $0x10200, s21;
	v0 =	vld [tilespmem:s22+$0x30]  }
0x44: {  	v1 =	vld [tilespmem:s22+$0xFFFFFFD0]  }
0x45: {  	s21 =	sshrl.u32 s21, $0x2;
	v5 =	vld [tilespmem:s22+$0xFFFFFFE0]  }
0x46: {  	v6 =	vld [tilespmem:s22+$0xFFFFFFF0];
	s24 =	sor.u32 $0x8000, s21  }
0x47: {  	s31 =	sand.u32 $0x1, s10;
	v4 =	vld [tilespmem:s22+$0x0];
	s23 =	sadd.s32 $0x0, s24  }
0x48: {  	v3 =	vld [tilespmem:s22+$0x10];
	s21 =	smul.u32 $0x10200, s31;
	[tilespmem:s23+$0x3870 ss:$0x81] =	vst.msk $0xffff, v0  }
0x49: {  	v2 =	vld [tilespmem:s22+$0x20];
	[tilespmem:s23+$0x810 ss:$0x81] =	vst.msk $0xffff, v1  }
0x4a: {  	s21 =	sshrl.u32 s21, $0x2;
	v1 =	vld [tilespmem:s22+$0xFFFFFFC0];
	[tilespmem:s23+$0x1020 ss:$0x81] =	vst.msk $0xffff, v5;
	s22 =	sadd.s32 $0x80, s22  }
0x4b: {  	s25 =	simm.s32 $0x4;
	s26 =	simm.s32 $0x8;
	s21 =	sor.u32 $0x8000, s21;
	[tilespmem:s23+$0x1830 ss:$0x81] =	vst.msk $0xffff, v6;
	v0 =	vld [tilespmem:s22+$0x30]  }
.LBB1_3:
0x4c: {  	p1 =	sne.s32 s26, $0x1FC;
	v5 =	vld [tilespmem:s22+$0xFFFFFFD0];
	[tilespmem:s23+$0x2040 ss:$0x81] =	vst.msk $0xffff, v4  }
0x4d: {  	v6 =	vld [tilespmem:s22+$0xFFFFFFE0];
	[tilespmem:s23+$0x2850 ss:$0x81] =	vst.msk $0xffff, v3  }
0x4e: {  	s27 =	sshra.s32 s25, $0x2;
	s25 =	smov.u32 s26;
	v7 =	vld [tilespmem:s22+$0xFFFFFFF0];
	[tilespmem:s23+$0x3060 ss:$0x81] =	vst.msk $0xffff, v2  }
.Ltmp3:
0x4f: {  	v4 =	vld [tilespmem:s22+$0x0];
	[tilespmem:s23+$0x0 ss:$0x81] =	vst.msk $0xffff, v1;
	s23 =	sadd.s32 s27, s24;
	(pc) =	sbr.rel @p1 .LBB1_3-.Ltmp3, $4  }
0x50: {  	v3 =	vld [tilespmem:s22+$0x10];
	[tilespmem:s23+$0x3870 ss:$0x81] =	vst.msk $0xffff, v0  }
0x51: {  	[tilespmem:s23+$0x810 ss:$0x81] =	vst.msk $0xffff, v5;
	v2 =	vld [tilespmem:s22+$0x20]  }
0x52: {  	v1 =	vld [tilespmem:s22+$0xFFFFFFC0];
	[tilespmem:s23+$0x1020 ss:$0x81] =	vst.msk $0xffff, v6;
	s22 =	sadd.s32 $0x80, s22  }
0x53: {  	s26 =	sadd.s32 $0x4, s26;
	v0 =	vld [tilespmem:s22+$0x30];
	[tilespmem:s23+$0x1830 ss:$0x81] =	vst.msk $0xffff, v7  }
0x54: {  	s26 =	sshrl.u32 s8, $0x3  }
0x55: {  	s27 =	sshll.u32 s9, $0x3;
	s26 =	smul.u32 $0xC00, s26  }
0x56: {  	s28 =	sshll.u32 s8, $0x7;
	s27 =	sand.u32 $0xFFFFFC00, s27  }
0x57: {  	s0 =	sand.u32 $0x380, s28;
	s26 =	sadd.s32 s27, s26  }
0x58: {  	s29 =	sand.u32 $0x7F, s9;
	[tilespmem:s23+$0x2040 ss:$0x81] =	vst.msk $0xffff, v4;
	s26 =	sor.u32 s0, s26  }
0x59: {  	s25 =	sshra.s32 s25, $0x2;
	[tilespmem:s23+$0x2850 ss:$0x81] =	vst.msk $0xffff, v3;
	s27 =	sor.u32 s29, s26;
	s26 =	smulhi.u32 $0xAAAAAAAB, s26  }
0x5a: {  	p1 =	sgt.s32 s12, $0x3;
	s24 =	sadd.s32 s25, s24;
	[tilespmem:s23+$0x3060 ss:$0x81] =	vst.msk $0xffff, v2;
	s28 =	smulhi.u32 $0xAAAAAAAB, s27  }
0x5b: {  	[tilespmem:s23+$0x0 ss:$0x81] =	vst.msk $0xffff, v1;
	s23 =	sshra.s32 s8, $0x1F;
	s29 =	sshra.s32 s12, $0x1F;
	s26 =	sshrl.u32 s26, $0x8  }
0x5c: {  	s30 =	sshrl.u32 s28, $0x8;
	s28 =	smov.u32 s12;
	s0 =	smulhi.u32 $0x1555556, s26  }
0x5d: {  	s29 =	sand.u32 s29, s12;
	s25 =	smul.u32 $0x180, s30;
	s28 =	simm.s32 @!p1 $0x3  }
0x5e: {  	p1 =	sgt.s32 s11, $0x17F;
	s30 =	sshra.s32 s11, $0x1F;
	s28 =	ssub.s32 s28, s29  }
0x5f: {  	s29 =	smov.u32 s11;
	s30 =	sand.u32 s30, s11;
	s0 =	smul.u32 $0xC0, s0  }
0x60: {  	s31 =	sadd.s32 $0xFFFFFFFD, s28;
	s29 =	simm.s32 @!p1 $0x17F;
	s28 =	ssub.s32 $0x4, s28  }
0x61: {  	p1 =	sgt.s32 s31, $0x0;
	s29 =	ssub.s32 s29, s30;
	s31 =	smov.u32 s9  }
0x62: {  	s28 =	simm.s32 @p1 $0x0;
	s30 =	sadd.s32 $0xFFFFFE81, s29;
	p1 =	sgt.s32 s9, $0x100  }
0x63: {  	s31 =	simm.s32 @!p1 $0x100;
	p1 =	sgt.s32 s30, $0x0;
	s30 =	sshra.s32 s9, $0x1F  }
0x64: {  	v5 =	vld [tilespmem:s22+$0xFFFFFFD0];
	s0 =	ssub.s32 s26, s0;
	s29 =	ssub.s32 $0x180, s29;
	s30 =	sand.u32 s30, s9  }
0x65: {  	v58 =	vld [tilespmem:s22+$0xFFFFFFE0];
	s29 =	simm.s32 @p1 $0x0;
	p1 =	sgt.s32 s8, $0x40;
	s30 =	ssub.s32 s31, s30  }
0x66: {  	v59 =	vld [tilespmem:s22+$0xFFFFFFF0];
	s31 =	smov.u32 s8;
	s28 =	smul.u32 s28, s29;
	s29 =	sadd.s32 $0xFFFFFF00, s30  }
0x67: {  	v60 =	vld [tilespmem:s22+$0x0];
	s31 =	simm.s32 @!p1 $0x40;
	p1 =	sgt.s32 s29, $0x7F;
	s29 =	ssub.s32 $0x180, s30  }
0x68: {  	v61 =	vld [tilespmem:s22+$0x10];
	[tilespmem:s24+$0x3870 ss:$0x81] =	vst.msk $0xffff, v0;
	s23 =	sand.u32 s23, s8;
	s0 =	smul.u32 $0x30, s0;
	s29 =	simm.s32 @p1 $0x0  }
0x69: {  	v62 =	vld [tilespmem:s22+$0x20];
	[tilespmem:s24+$0x810 ss:$0x81] =	vst.msk $0xffff, v5;
	s23 =	ssub.s32 s31, s23;
	s31 =	smul.u32 s29, s28  }
0x6a: {  	v63 =	vld [tilespmem:s22+$0xFFFFFFC0];
	[tilespmem:s24+$0x1020 ss:$0x81] =	vst.msk $0xffff, v58;
	s25 =	ssub.s32 s27, s25;
	s26 =	sadd.s32 $0xFFFFFFC0, s23;
	s28 =	smul.u32 $0x360000, s12  }
0x6b: {  	[tilespmem:s24+$0x1830 ss:$0x81] =	vst.msk $0xffff, v59;
	s22 =	ssub.s32 $0xC0, s23;
	p1 =	sgt.s32 s26, $0x7F;
	s29 =	smul.u32 $0x2400, s11  }
.Ltmp4:
0x6c: {  	[tilespmem:s24+$0x2040 ss:$0x81] =	vst.msk $0xffff, v60;
	s22 =	simm.s32 @p1 $0x0;
	s26 =	sadd.s32 s2, s28;
	(pc) =	sbr.rel .LBB1_5-.Ltmp4, $4  }
0x6d: {  	[tilespmem:s24+$0x2850 ss:$0x81] =	vst.msk $0xffff, v61;
	s30 =	sand.u32 $0x7, s25;
	s22 =	smul.u32 s22, s31;
	s23 =	sadd.s32 s29, s26  }
0x6e: {  	[tilespmem:s24+$0x3060 ss:$0x81] =	vst.msk $0xffff, v62;
	s25 =	sshrl.u32 s25, $0x3;
	s31 =	sshll.u32 s30, $0x12;
	s0 =	sadd.s32 s0, s23  }
0x6f: {  	[tilespmem:s24+$0x0 ss:$0x81] =	vst.msk $0xffff, v63;
	s22 =	sand.u32 $0x3FFFFFFF, s22;
	s23 =	sor.u32 $0x400, s31;
	s0 =	sadd.s32 s25, s0  }
0x70: {  	[hbm4b:s0+s23] =	stream.strided.scatter [tilespmem:s21], [sflag:$0x2], s22, s7, s23, $0x20;
	[tilespmem:$0x10100] =	vst v63  }
.LBB1_6:
0x71: {  	_ =	sfence.sel $0x180000  }
0x72: {  	s0 =	simm.s32 $0x1;
	[bflag:$0x0] =	sbarrier.arrive $0xFFFF  }
0x73: {  	s31 =	simm.s32 $0x2;
	[sflag:s0] =	ssyncpa.u1 $0x1  }
0x74: {  	[sflag:s31] =	ssyncpa.u1 $0x1  }
0x75: {  	_ =	strace $0x90000047  }
0x76: {  	[bflag:$0x2] =	sbarrier.arrive $0xFFFF  }
0x77: {  	p0 =	sne.s32 s1, $0x0;
	s0 =	rddreg [dreg:$0x2]  }
0x78: {  	s0 =	sadd.s32 @!p0 $0x100000, s0  }
0x79: {  	[sflag:s0] =	ssyncadd.tile.s32 @!p0 $0x1;
	_ =	shalt  }
.Lfunc_end1:
_tile_overlayer_lowered:
.L_overlay_start_2:
0x7a: {  	(tag) =	ssettag $0x2  }
0x7b: {  	s0 =	rddreg [dreg:$0x0];
	s2 =	stileid.u32  }
0x7c: {  	s1 =	rddreg [dreg:$0x1];
	p0 =	sne.s32 s2, $0x0  }
0x7d: {  	s3 =	rddreg [dreg:$0x2];
	[bflag:$0x3] =	sbarrier.arrive $0xFFFF;
	s2 =	simm.s32 @!p0 $0x1C01  }
0x7e: {  	[timem:s3], [sflag:s2] =	dma.local @!p0 [hbm:s0], s1  }
0x7f: {  	s0 =	simm.s32 @!p0 $0x1  }
0x80: {  	_ =	swait.ge @!p0 [sflag:s0], s1  }
0x81: {  	s1 =	ssub.s32 @!p0 $0x0, s1;
	[sflag:s0] =	ssyncset.done @!p0 $0x0  }
0x82: {  	[sflag:s0] =	ssyncadd.s32 @!p0 s1  }
0x83: {  	[bflag:$0x3] =	sbarrier.arrive $0xFFFF  }
0x84: {  	_ =	shalt  }

</sc_bundles>
